<compile_context>
chip_gen: v7x
topology: tpu7x:2x2x1
jax: 0.10.2.dev20260603
libtpu: 0.0.44.dev20260713+nightly
codegen_flags: <defaults>
</compile_context>

<pallas_src>
import functools

import jax
import jax.numpy as jnp
from jax import lax
from jax.experimental import pallas as pl
from jax.experimental.pallas import tpu as pltpu
from jax.experimental.pallas import tpu_sc as plsc

_H = 512
_W = 512
_N = 128
_K1 = 21.7
_K2 = 40.0
_BIG = 1.0e4
_LN2 = 0.6931471805599453


def _road_loss_tc(hd_ref, pred_ref, out_ref):
    hd = hd_ref[:]
    p0 = pred_ref[:, 0:1]
    p1 = pred_ref[:, 1:2]

    hdn = jnp.concatenate([hd[1:, :], hd[511:, :]], axis=0)
    e = jnp.where(hd != hdn, 0.0, _BIG)

    a = e
    b = jnp.concatenate([jnp.full((1, _W), _BIG, jnp.float32),
                         e[:-1, :]], axis=0)
    s = 1
    for _ in range(9):
        pad = jnp.full((s, _W), _BIG, dtype=jnp.float32)
        a = jnp.minimum(a, jnp.concatenate([a[s:, :], pad], axis=0) + float(s))
        b = jnp.minimum(b, jnp.concatenate([pad, b[:-s, :]], axis=0) + float(s))
        s *= 2
    dopp = jnp.minimum(a, b) + 1.0
    dsq = dopp * dopp

    lane = jax.lax.broadcasted_iota(jnp.int32, (_N, _H), 1)
    oh0 = (lane == p0).astype(jnp.float32)
    gd = jnp.dot(oh0, dsq, preferred_element_type=jnp.float32)
    gh = jnp.dot(oh0, hd, preferred_element_type=jnp.float32)
    g1 = (1.0 - gh) * gd
    g0 = gh * gd

    bb = (lane.astype(jnp.float32) - p1.astype(jnp.float32)) ** 2
    dmin1sq = jnp.min(g1 + bb, axis=1, keepdims=True)
    dmin0sq = jnp.min(g0 + bb, axis=1, keepdims=True)

    outside_frame = (p0 < 0) | (p0 > _H) | (p1 < 0) | (p1 > _W)
    valid = (p0 >= 1) & (p1 >= 1)
    loss_out = jnp.exp(jnp.sqrt(dmin0sq) * (_LN2 / _K2))
    loss_in = jnp.exp(-dmin1sq * (1.0 / _K1))
    lin = jnp.where(outside_frame, 0.0, loss_in)
    lout = jnp.where(outside_frame, 0.0, loss_out)
    out_ref[:, :] = jnp.concatenate(
        [lin, lout, valid.astype(jnp.float32)], axis=1)


_PPW = 16


@functools.partial(
    pl.kernel,
    mesh=plsc.VectorSubcoreMesh(core_axis_name="c", subcore_axis_name="s"),
    out_type=jax.ShapeDtypeStruct((4 * _N,), jnp.float32),
    scratch_types=[
        pltpu.VMEM((_PPW,), jnp.int32),
        pltpu.VMEM((_PPW,), jnp.float32),
        pltpu.SemaphoreType.DMA,
    ],
)
def _nbr_sc(hd_hbm, idx_hbm, out_hbm, idx_v, val_v, sem):
    wid = lax.axis_index("s") * 2 + lax.axis_index("c")
    base = wid * _PPW
    pltpu.sync_copy(idx_hbm.at[pl.ds(base, _PPW)], idx_v)
    pltpu.async_copy(hd_hbm.at[idx_v], val_v, sem).wait()
    pltpu.sync_copy(val_v, out_hbm.at[pl.ds(base, _PPW)])


@jax.jit
def _run(hd_map, prediction):
    p0 = prediction[:, 0]
    p1 = prediction[:, 1]
    rows = jnp.stack([p1 - 1, p1 - 1, p1, p1], axis=1)
    cols = jnp.stack([p0 - 1, p0, p0 - 1, p0], axis=1)
    idx = (jnp.clip(rows, 0, _H - 1) * _W
           + jnp.clip(cols, 0, _W - 1)).reshape(-1)
    vals = _nbr_sc(hd_map.reshape(-1), idx)
    per_pt = pl.pallas_call(
        _road_loss_tc,
        out_shape=jax.ShapeDtypeStruct((_N, 3), jnp.float32),
    )(hd_map, prediction)
    nbr = jnp.sum(vals.reshape(_N, 4), axis=1)
    sel = (per_pt[:, 2] > 0.5) & (nbr > 0.5)
    per = jnp.where(sel, per_pt[:, 1], per_pt[:, 0])
    return jnp.mean(per)


def kernel(hd_map, prediction):
    return _run(hd_map, prediction)

# --- scband reference (transcript-rebuilt; emitter-appended) ---
"""Pipeline reference for scband-road-loss-30219389895055 (READ-ONLY COPY).

The authoritative reference and input builder live on the scoring server;
editing this copy changes nothing except your own understanding.
"""

import jax, jax.numpy as jnp
import numpy as np

K1 = 21.7
K2 = 40.0


def setup_inputs(seed: int = 0):
    key = jax.random.key(seed)
    k1, k2 = jax.random.split(key)
    hd_map = jax.random.randint(k1, (512, 512), 0, 2).astype(jnp.float32)
    prediction = jax.random.randint(k2, (128, 2), 0, 511).astype(jnp.int32)
    return {"hd_map": hd_map, "prediction": prediction}


def _per_point_losses(hd_map, prediction):
    H, W = hd_map.shape
    p0 = prediction[:, 0]
    p1 = prediction[:, 1]
    # is_outside_frame: point[0] vs shape[0], point[1] vs shape[1] (as in torch code)
    outside_frame = (p0 < 0) | (p0 > H) | (p1 < 0) | (p1 > W)
    # is_outside_road: 2x2 patch hd_map[p1-1:p1+1, p0-1:p0+1]; empty slice when a coord is 0
    valid = (p0 >= 1) & (p1 >= 1)
    n00 = hd_map[p1 - 1, p0 - 1]
    n01 = hd_map[p1 - 1, p0]
    n10 = hd_map[p1, p0 - 1]
    n11 = hd_map[p1, p0]
    outside_road = valid & ((n00 == 1) | (n01 == 1) | (n10 == 1) | (n11 == 1))
    pf = prediction.astype(jnp.float32)
    # distances use nonzero[:,0]-point[0] and nonzero[:,1]-point[1], exactly as torch code
    gi = jnp.arange(H, dtype=jnp.float32)[None, :, None]
    gj = jnp.arange(W, dtype=jnp.float32)[None, None, :]
    d = jnp.sqrt((gi - pf[:, 0, None, None]) ** 2 + (gj - pf[:, 1, None, None]) ** 2)
    mask1 = (hd_map != 0)[None, :, :]
    dmin1 = jnp.min(jnp.where(mask1, d, jnp.inf), axis=(1, 2))
    mask0 = ((hd_map * -1.0 + 1.0) != 0)[None, :, :]
    dmin0 = jnp.min(jnp.where(mask0, d, jnp.inf), axis=(1, 2))
    ln2 = jnp.log(jnp.float32(2.0))
    loss_out_road = jnp.exp(dmin0 * (ln2 / K2))
    loss_in_road = jnp.exp(-1.0 * dmin1 ** 2 / K1)
    per = jnp.where(outside_frame, jnp.float32(0.0), jnp.where(outside_road, loss_out_road, loss_in_road))
    return per


def reference(hd_map, prediction):
    per = _per_point_losses(hd_map, prediction)
    return jnp.mean(per)

if __name__ == "__main__":
    import jax
    _d = setup_inputs()
    print(jax.jit(kernel)(*tuple(_d.values())))

</pallas_src>

<mosaic_0001>
#map = affine_map<(d0, d1) -> (0)>
module attributes {stable_mosaic.version = 14 : i64} {
  func.func @_nbr_sc(%arg0: i32, %arg1: i32, %arg2: memref<262144xf32, #tpu.memory_space<hbm>>, %arg3: memref<512xi32, #tpu.memory_space<hbm>>, %arg4: memref<512xf32, #tpu.memory_space<hbm>>, %arg5: memref<16xi32, #tpu.memory_space<vmem>>, %arg6: memref<16xf32, #tpu.memory_space<vmem>>, %arg7: memref<!tpu.dma_semaphore, #tpu.memory_space<semaphore_mem>>) attributes {dimension_semantics = [#tpu.dimension_semantics<core_parallel>, #tpu.dimension_semantics<subcore_parallel>], iteration_bounds = array<i64: 2, 16>, scalar_prefetch = 0 : i64, scratch_operands = 3 : i64, tpu.core_type = #tpu.core_type<sc_vector_subcore>, window_params = [{transform_indices = #map}, {transform_indices = #map}, {transform_indices = #map}]} {
    %mul3A = arith.constant 2 : i32
    %mul3A_0 = arith.muli %arg1, %mul3A : i32
    %add3A = arith.addi %mul3A_0, %arg0 : i32
    %mul3A_1 = arith.constant 16 : i32
    %mul3A_2 = arith.muli %add3A, %mul3A_1 : i32
    "tpu.region"() ({
      %run_scoped3A = tpu.sem_alloc : memref<!tpu.dma_semaphore, #tpu.memory_space<semaphore_mem>>
      %dma_start3A_5 = tpu.memref_slice %arg3[%mul3A_2] : memref<512xi32, #tpu.memory_space<hbm>> -> memref<16xi32, #tpu.memory_space<hbm>>
      %dma_start3A_6 = tpu.memref_slice %arg3[%mul3A_2] : memref<512xi32, #tpu.memory_space<hbm>> -> memref<16xi32, #tpu.memory_space<hbm>>
      tpu.enqueue_dma source(%dma_start3A_6 : memref<16xi32, #tpu.memory_space<hbm>>) target(%arg5 : memref<16xi32, #tpu.memory_space<vmem>>) target_semaphore(%run_scoped3A : memref<!tpu.dma_semaphore, #tpu.memory_space<semaphore_mem>>)
      %dma_wait3A_7 = tpu.memref_slice %arg3[%mul3A_2] : memref<512xi32, #tpu.memory_space<hbm>> -> memref<16xi32, #tpu.memory_space<hbm>>
      %dma_wait3A_8 = tpu.memref_slice %arg3[%mul3A_2] : memref<512xi32, #tpu.memory_space<hbm>> -> memref<16xi32, #tpu.memory_space<hbm>>
      tpu.wait_dma2 semaphore(%run_scoped3A : memref<!tpu.dma_semaphore, #tpu.memory_space<semaphore_mem>>) src(%dma_wait3A_8 : memref<16xi32, #tpu.memory_space<hbm>>) dst(%arg5 : memref<16xi32, #tpu.memory_space<vmem>>)
      tpu.yield
    }) : () -> ()
    %dma_start3A = arith.constant 0 : i32
    %dma_start3A_3 = tpu.memref_slice %arg2[%dma_start3A] : memref<262144xf32, #tpu.memory_space<hbm>> -> memref<262144xf32, #tpu.memory_space<hbm>>
    tpu.enqueue_indirect_dma source(%dma_start3A_3 : memref<262144xf32, #tpu.memory_space<hbm>>) target(%arg6 : memref<16xf32, #tpu.memory_space<vmem>>) offsets(%arg5 : memref<16xi32, #tpu.memory_space<vmem>>) semaphore(%arg7 : memref<!tpu.dma_semaphore, #tpu.memory_space<semaphore_mem>>)
    %dma_wait3A = arith.constant 0 : i32
    %dma_wait3A_4 = tpu.memref_slice %arg2[%dma_wait3A] : memref<262144xf32, #tpu.memory_space<hbm>> -> memref<262144xf32, #tpu.memory_space<hbm>>
    tpu.wait_indirect_dma semaphore(%arg7 : memref<!tpu.dma_semaphore, #tpu.memory_space<semaphore_mem>>) src(%dma_wait3A_4 : memref<262144xf32, #tpu.memory_space<hbm>>) dst(%arg6 : memref<16xf32, #tpu.memory_space<vmem>>)
    "tpu.region"() ({
      %run_scoped3A = tpu.sem_alloc : memref<!tpu.dma_semaphore, #tpu.memory_space<semaphore_mem>>
      %dma_start3A_5 = tpu.memref_slice %arg4[%mul3A_2] : memref<512xf32, #tpu.memory_space<hbm>> -> memref<16xf32, #tpu.memory_space<hbm>>
      %dma_start3A_6 = tpu.memref_slice %arg4[%mul3A_2] : memref<512xf32, #tpu.memory_space<hbm>> -> memref<16xf32, #tpu.memory_space<hbm>>
      tpu.enqueue_dma source(%arg6 : memref<16xf32, #tpu.memory_space<vmem>>) target(%dma_start3A_6 : memref<16xf32, #tpu.memory_space<hbm>>) target_semaphore(%run_scoped3A : memref<!tpu.dma_semaphore, #tpu.memory_space<semaphore_mem>>)
      %dma_wait3A_7 = tpu.memref_slice %arg4[%mul3A_2] : memref<512xf32, #tpu.memory_space<hbm>> -> memref<16xf32, #tpu.memory_space<hbm>>
      %dma_wait3A_8 = tpu.memref_slice %arg4[%mul3A_2] : memref<512xf32, #tpu.memory_space<hbm>> -> memref<16xf32, #tpu.memory_space<hbm>>
      tpu.wait_dma2 semaphore(%run_scoped3A : memref<!tpu.dma_semaphore, #tpu.memory_space<semaphore_mem>>) src(%arg6 : memref<16xf32, #tpu.memory_space<vmem>>) dst(%dma_wait3A_8 : memref<16xf32, #tpu.memory_space<hbm>>)
      tpu.yield
    }) : () -> ()
    return
  }
}

module attributes {stable_mosaic.version = 14 : i64} {
  func.func @_road_loss_tc(%arg0: memref<512x512xf32, #tpu.memory_space<vmem>>, %arg1: memref<128x2xi32, #tpu.memory_space<vmem>>, %arg2: memref<128x3xf32, #tpu.memory_space<vmem>>) attributes {dimension_semantics = [], scalar_prefetch = 0 : i64, scratch_operands = 0 : i64, tpu.core_type = #tpu.core_type<tc>} {
    %get3A = arith.constant 0 : index
    %get3A_0 = arith.constant 0 : index
    %get3A_1 = vector.load %arg0[%get3A, %get3A_0] : memref<512x512xf32, #tpu.memory_space<vmem>>, vector<512x512xf32>
    %get3A_2 = arith.constant 0 : index
    %get3A_3 = arith.constant 0 : index
    %get3A_4 = vector.load %arg1[%get3A_2, %get3A_3] : memref<128x2xi32, #tpu.memory_space<vmem>>, vector<128x1xi32>
    %get3A_5 = arith.constant 0 : index
    %get3A_6 = arith.constant 1 : index
    %get3A_7 = vector.load %arg1[%get3A_5, %get3A_6] : memref<128x2xi32, #tpu.memory_space<vmem>>, vector<128x1xi32>
    %slice3A = vector.extract_strided_slice %get3A_1 {offsets = [1, 0], sizes = [511, 512], strides = [1, 1]} : vector<512x512xf32> to vector<511x512xf32>
    %slice3A_8 = vector.extract_strided_slice %get3A_1 {offsets = [511, 0], sizes = [1, 512], strides = [1, 1]} : vector<512x512xf32> to vector<1x512xf32>
    %concatenate3A = tpu.concatenate %slice3A, %slice3A_8 in 0 : vector<511x512xf32>, vector<1x512xf32> -> vector<512x512xf32>
    %ne3A = arith.cmpf one, %get3A_1, %concatenate3A : vector<512x512xf32>
    %jit3A = arith.constant 0.000000e+00 : f32
    %jit3A_9 = arith.constant 1.000000e+04 : f32
    %broadcast_in_dim3A = vector.broadcast %jit3A : f32 to vector<512x512xf32>
    %broadcast_in_dim3A_10 = vector.broadcast %jit3A_9 : f32 to vector<512x512xf32>
    %select_n3A = arith.select %ne3A, %broadcast_in_dim3A, %broadcast_in_dim3A_10 : vector<512x512xi1>, vector<512x512xf32>
    %broadcast_in_dim3A_11 = arith.constant 1.000000e+04 : f32
    %broadcast_in_dim3A_12 = vector.broadcast %broadcast_in_dim3A_11 : f32 to vector<1x512xf32>
    %slice3A_13 = vector.extract_strided_slice %select_n3A {offsets = [0, 0], sizes = [511, 512], strides = [1, 1]} : vector<512x512xf32> to vector<511x512xf32>
    %concatenate3A_14 = tpu.concatenate %broadcast_in_dim3A_12, %slice3A_13 in 0 : vector<1x512xf32>, vector<511x512xf32> -> vector<512x512xf32>
    %broadcast_in_dim3A_15 = arith.constant 1.000000e+04 : f32
    %broadcast_in_dim3A_16 = vector.broadcast %broadcast_in_dim3A_15 : f32 to vector<1x512xf32>
    %slice3A_17 = vector.extract_strided_slice %select_n3A {offsets = [1, 0], sizes = [511, 512], strides = [1, 1]} : vector<512x512xf32> to vector<511x512xf32>
    %concatenate3A_18 = tpu.concatenate %slice3A_17, %broadcast_in_dim3A_16 in 0 : vector<511x512xf32>, vector<1x512xf32> -> vector<512x512xf32>
    %add3A = arith.constant 1.000000e+00 : f32
    %add3A_19 = vector.broadcast %add3A : f32 to vector<512x512xf32>
    %add3A_20 = arith.addf %concatenate3A_18, %add3A_19 : vector<512x512xf32>
    %min3A = arith.minimumf %select_n3A, %add3A_20 : vector<512x512xf32>
    %slice3A_21 = vector.extract_strided_slice %concatenate3A_14 {offsets = [0, 0], sizes = [511, 512], strides = [1, 1]} : vector<512x512xf32> to vector<511x512xf32>
    %concatenate3A_22 = tpu.concatenate %broadcast_in_dim3A_16, %slice3A_21 in 0 : vector<1x512xf32>, vector<511x512xf32> -> vector<512x512xf32>
    %add3A_23 = arith.constant 1.000000e+00 : f32
    %add3A_24 = vector.broadcast %add3A_23 : f32 to vector<512x512xf32>
    %add3A_25 = arith.addf %concatenate3A_22, %add3A_24 : vector<512x512xf32>
    %min3A_26 = arith.minimumf %concatenate3A_14, %add3A_25 : vector<512x512xf32>
    %broadcast_in_dim3A_27 = arith.constant 1.000000e+04 : f32
    %broadcast_in_dim3A_28 = vector.broadcast %broadcast_in_dim3A_27 : f32 to vector<2x512xf32>
    %slice3A_29 = vector.extract_strided_slice %min3A {offsets = [2, 0], sizes = [510, 512], strides = [1, 1]} : vector<512x512xf32> to vector<510x512xf32>
    %concatenate3A_30 = tpu.concatenate %slice3A_29, %broadcast_in_dim3A_28 in 0 : vector<510x512xf32>, vector<2x512xf32> -> vector<512x512xf32>
    %add3A_31 = arith.constant 2.000000e+00 : f32
    %add3A_32 = vector.broadcast %add3A_31 : f32 to vector<512x512xf32>
    %add3A_33 = arith.addf %concatenate3A_30, %add3A_32 : vector<512x512xf32>
    %min3A_34 = arith.minimumf %min3A, %add3A_33 : vector<512x512xf32>
    %slice3A_35 = vector.extract_strided_slice %min3A_26 {offsets = [0, 0], sizes = [510, 512], strides = [1, 1]} : vector<512x512xf32> to vector<510x512xf32>
    %concatenate3A_36 = tpu.concatenate %broadcast_in_dim3A_28, %slice3A_35 in 0 : vector<2x512xf32>, vector<510x512xf32> -> vector<512x512xf32>
    %add3A_37 = arith.constant 2.000000e+00 : f32
    %add3A_38 = vector.broadcast %add3A_37 : f32 to vector<512x512xf32>
    %add3A_39 = arith.addf %concatenate3A_36, %add3A_38 : vector<512x512xf32>
    %min3A_40 = arith.minimumf %min3A_26, %add3A_39 : vector<512x512xf32>
    %broadcast_in_dim3A_41 = arith.constant 1.000000e+04 : f32
    %broadcast_in_dim3A_42 = vector.broadcast %broadcast_in_dim3A_41 : f32 to vector<4x512xf32>
    %slice3A_43 = vector.extract_strided_slice %min3A_34 {offsets = [4, 0], sizes = [508, 512], strides = [1, 1]} : vector<512x512xf32> to vector<508x512xf32>
    %concatenate3A_44 = tpu.concatenate %slice3A_43, %broadcast_in_dim3A_42 in 0 : vector<508x512xf32>, vector<4x512xf32> -> vector<512x512xf32>
    %add3A_45 = arith.constant 4.000000e+00 : f32
    %add3A_46 = vector.broadcast %add3A_45 : f32 to vector<512x512xf32>
    %add3A_47 = arith.addf %concatenate3A_44, %add3A_46 : vector<512x512xf32>
    %min3A_48 = arith.minimumf %min3A_34, %add3A_47 : vector<512x512xf32>
    %slice3A_49 = vector.extract_strided_slice %min3A_40 {offsets = [0, 0], sizes = [508, 512], strides = [1, 1]} : vector<512x512xf32> to vector<508x512xf32>
    %concatenate3A_50 = tpu.concatenate %broadcast_in_dim3A_42, %slice3A_49 in 0 : vector<4x512xf32>, vector<508x512xf32> -> vector<512x512xf32>
    %add3A_51 = arith.constant 4.000000e+00 : f32
    %add3A_52 = vector.broadcast %add3A_51 : f32 to vector<512x512xf32>
    %add3A_53 = arith.addf %concatenate3A_50, %add3A_52 : vector<512x512xf32>
    %min3A_54 = arith.minimumf %min3A_40, %add3A_53 : vector<512x512xf32>
    %broadcast_in_dim3A_55 = arith.constant 1.000000e+04 : f32
    %broadcast_in_dim3A_56 = vector.broadcast %broadcast_in_dim3A_55 : f32 to vector<8x512xf32>
    %slice3A_57 = vector.extract_strided_slice %min3A_48 {offsets = [8, 0], sizes = [504, 512], strides = [1, 1]} : vector<512x512xf32> to vector<504x512xf32>
    %concatenate3A_58 = tpu.concatenate %slice3A_57, %broadcast_in_dim3A_56 in 0 : vector<504x512xf32>, vector<8x512xf32> -> vector<512x512xf32>
    %add3A_59 = arith.constant 8.000000e+00 : f32
    %add3A_60 = vector.broadcast %add3A_59 : f32 to vector<512x512xf32>
    %add3A_61 = arith.addf %concatenate3A_58, %add3A_60 : vector<512x512xf32>
    %min3A_62 = arith.minimumf %min3A_48, %add3A_61 : vector<512x512xf32>
    %slice3A_63 = vector.extract_strided_slice %min3A_54 {offsets = [0, 0], sizes = [504, 512], strides = [1, 1]} : vector<512x512xf32> to vector<504x512xf32>
    %concatenate3A_64 = tpu.concatenate %broadcast_in_dim3A_56, %slice3A_63 in 0 : vector<8x512xf32>, vector<504x512xf32> -> vector<512x512xf32>
    %add3A_65 = arith.constant 8.000000e+00 : f32
    %add3A_66 = vector.broadcast %add3A_65 : f32 to vector<512x512xf32>
    %add3A_67 = arith.addf %concatenate3A_64, %add3A_66 : vector<512x512xf32>
    %min3A_68 = arith.minimumf %min3A_54, %add3A_67 : vector<512x512xf32>
    %broadcast_in_dim3A_69 = arith.constant 1.000000e+04 : f32
    %broadcast_in_dim3A_70 = vector.broadcast %broadcast_in_dim3A_69 : f32 to vector<16x512xf32>
    %slice3A_71 = vector.extract_strided_slice %min3A_62 {offsets = [16, 0], sizes = [496, 512], strides = [1, 1]} : vector<512x512xf32> to vector<496x512xf32>
    %concatenate3A_72 = tpu.concatenate %slice3A_71, %broadcast_in_dim3A_70 in 0 : vector<496x512xf32>, vector<16x512xf32> -> vector<512x512xf32>
    %add3A_73 = arith.constant 1.600000e+01 : f32
    %add3A_74 = vector.broadcast %add3A_73 : f32 to vector<512x512xf32>
    %add3A_75 = arith.addf %concatenate3A_72, %add3A_74 : vector<512x512xf32>
    %min3A_76 = arith.minimumf %min3A_62, %add3A_75 : vector<512x512xf32>
    %slice3A_77 = vector.extract_strided_slice %min3A_68 {offsets = [0, 0], sizes = [496, 512], strides = [1, 1]} : vector<512x512xf32> to vector<496x512xf32>
    %concatenate3A_78 = tpu.concatenate %broadcast_in_dim3A_70, %slice3A_77 in 0 : vector<16x512xf32>, vector<496x512xf32> -> vector<512x512xf32>
    %add3A_79 = arith.constant 1.600000e+01 : f32
    %add3A_80 = vector.broadcast %add3A_79 : f32 to vector<512x512xf32>
    %add3A_81 = arith.addf %concatenate3A_78, %add3A_80 : vector<512x512xf32>
    %min3A_82 = arith.minimumf %min3A_68, %add3A_81 : vector<512x512xf32>
    %broadcast_in_dim3A_83 = arith.constant 1.000000e+04 : f32
    %broadcast_in_dim3A_84 = vector.broadcast %broadcast_in_dim3A_83 : f32 to vector<32x512xf32>
    %slice3A_85 = vector.extract_strided_slice %min3A_76 {offsets = [32, 0], sizes = [480, 512], strides = [1, 1]} : vector<512x512xf32> to vector<480x512xf32>
    %concatenate3A_86 = tpu.concatenate %slice3A_85, %broadcast_in_dim3A_84 in 0 : vector<480x512xf32>, vector<32x512xf32> -> vector<512x512xf32>
    %add3A_87 = arith.constant 3.200000e+01 : f32
    %add3A_88 = vector.broadcast %add3A_87 : f32 to vector<512x512xf32>
    %add3A_89 = arith.addf %concatenate3A_86, %add3A_88 : vector<512x512xf32>
    %min3A_90 = arith.minimumf %min3A_76, %add3A_89 : vector<512x512xf32>
    %slice3A_91 = vector.extract_strided_slice %min3A_82 {offsets = [0, 0], sizes = [480, 512], strides = [1, 1]} : vector<512x512xf32> to vector<480x512xf32>
    %concatenate3A_92 = tpu.concatenate %broadcast_in_dim3A_84, %slice3A_91 in 0 : vector<32x512xf32>, vector<480x512xf32> -> vector<512x512xf32>
    %add3A_93 = arith.constant 3.200000e+01 : f32
    %add3A_94 = vector.broadcast %add3A_93 : f32 to vector<512x512xf32>
    %add3A_95 = arith.addf %concatenate3A_92, %add3A_94 : vector<512x512xf32>
    %min3A_96 = arith.minimumf %min3A_82, %add3A_95 : vector<512x512xf32>
    %broadcast_in_dim3A_97 = arith.constant 1.000000e+04 : f32
    %broadcast_in_dim3A_98 = vector.broadcast %broadcast_in_dim3A_97 : f32 to vector<64x512xf32>
    %slice3A_99 = vector.extract_strided_slice %min3A_90 {offsets = [64, 0], sizes = [448, 512], strides = [1, 1]} : vector<512x512xf32> to vector<448x512xf32>
    %concatenate3A_100 = tpu.concatenate %slice3A_99, %broadcast_in_dim3A_98 in 0 : vector<448x512xf32>, vector<64x512xf32> -> vector<512x512xf32>
    %add3A_101 = arith.constant 6.400000e+01 : f32
    %add3A_102 = vector.broadcast %add3A_101 : f32 to vector<512x512xf32>
    %add3A_103 = arith.addf %concatenate3A_100, %add3A_102 : vector<512x512xf32>
    %min3A_104 = arith.minimumf %min3A_90, %add3A_103 : vector<512x512xf32>
    %slice3A_105 = vector.extract_strided_slice %min3A_96 {offsets = [0, 0], sizes = [448, 512], strides = [1, 1]} : vector<512x512xf32> to vector<448x512xf32>
    %concatenate3A_106 = tpu.concatenate %broadcast_in_dim3A_98, %slice3A_105 in 0 : vector<64x512xf32>, vector<448x512xf32> -> vector<512x512xf32>
    %add3A_107 = arith.constant 6.400000e+01 : f32
    %add3A_108 = vector.broadcast %add3A_107 : f32 to vector<512x512xf32>
    %add3A_109 = arith.addf %concatenate3A_106, %add3A_108 : vector<512x512xf32>
    %min3A_110 = arith.minimumf %min3A_96, %add3A_109 : vector<512x512xf32>
    %broadcast_in_dim3A_111 = arith.constant 1.000000e+04 : f32
    %broadcast_in_dim3A_112 = vector.broadcast %broadcast_in_dim3A_111 : f32 to vector<128x512xf32>
    %slice3A_113 = vector.extract_strided_slice %min3A_104 {offsets = [128, 0], sizes = [384, 512], strides = [1, 1]} : vector<512x512xf32> to vector<384x512xf32>
    %concatenate3A_114 = tpu.concatenate %slice3A_113, %broadcast_in_dim3A_112 in 0 : vector<384x512xf32>, vector<128x512xf32> -> vector<512x512xf32>
    %add3A_115 = arith.constant 1.280000e+02 : f32
    %add3A_116 = vector.broadcast %add3A_115 : f32 to vector<512x512xf32>
    %add3A_117 = arith.addf %concatenate3A_114, %add3A_116 : vector<512x512xf32>
    %min3A_118 = arith.minimumf %min3A_104, %add3A_117 : vector<512x512xf32>
    %slice3A_119 = vector.extract_strided_slice %min3A_110 {offsets = [0, 0], sizes = [384, 512], strides = [1, 1]} : vector<512x512xf32> to vector<384x512xf32>
    %concatenate3A_120 = tpu.concatenate %broadcast_in_dim3A_112, %slice3A_119 in 0 : vector<128x512xf32>, vector<384x512xf32> -> vector<512x512xf32>
    %add3A_121 = arith.constant 1.280000e+02 : f32
    %add3A_122 = vector.broadcast %add3A_121 : f32 to vector<512x512xf32>
    %add3A_123 = arith.addf %concatenate3A_120, %add3A_122 : vector<512x512xf32>
    %min3A_124 = arith.minimumf %min3A_110, %add3A_123 : vector<512x512xf32>
    %broadcast_in_dim3A_125 = arith.constant 1.000000e+04 : f32
    %broadcast_in_dim3A_126 = vector.broadcast %broadcast_in_dim3A_125 : f32 to vector<256x512xf32>
    %slice3A_127 = vector.extract_strided_slice %min3A_118 {offsets = [256, 0], sizes = [256, 512], strides = [1, 1]} : vector<512x512xf32> to vector<256x512xf32>
    %concatenate3A_128 = tpu.concatenate %slice3A_127, %broadcast_in_dim3A_126 in 0 : vector<256x512xf32>, vector<256x512xf32> -> vector<512x512xf32>
    %add3A_129 = arith.constant 2.560000e+02 : f32
    %add3A_130 = vector.broadcast %add3A_129 : f32 to vector<512x512xf32>
    %add3A_131 = arith.addf %concatenate3A_128, %add3A_130 : vector<512x512xf32>
    %min3A_132 = arith.minimumf %min3A_118, %add3A_131 : vector<512x512xf32>
    %slice3A_133 = vector.extract_strided_slice %min3A_124 {offsets = [0, 0], sizes = [256, 512], strides = [1, 1]} : vector<512x512xf32> to vector<256x512xf32>
    %concatenate3A_134 = tpu.concatenate %broadcast_in_dim3A_126, %slice3A_133 in 0 : vector<256x512xf32>, vector<256x512xf32> -> vector<512x512xf32>
    %add3A_135 = arith.constant 2.560000e+02 : f32
    %add3A_136 = vector.broadcast %add3A_135 : f32 to vector<512x512xf32>
    %add3A_137 = arith.addf %concatenate3A_134, %add3A_136 : vector<512x512xf32>
    %min3A_138 = arith.minimumf %min3A_124, %add3A_137 : vector<512x512xf32>
    %min3A_139 = arith.minimumf %min3A_132, %min3A_138 : vector<512x512xf32>
    %add3A_140 = arith.constant 1.000000e+00 : f32
    %add3A_141 = vector.broadcast %add3A_140 : f32 to vector<512x512xf32>
    %add3A_142 = arith.addf %min3A_139, %add3A_141 : vector<512x512xf32>
    %mul3A = arith.mulf %add3A_142, %add3A_142 : vector<512x512xf32>
    %iota3A = tpu.iota {dimensions = array<i32: 1>} : vector<128x512xi32>
    %eq3A = vector.broadcast %get3A_4 : vector<128x1xi32> to vector<128x512xi32>
    %eq3A_143 = arith.cmpi eq, %iota3A, %eq3A : vector<128x512xi32>
    %convert_element_type3A = arith.extui %eq3A_143 : vector<128x512xi1> to vector<128x512xi32>
    %convert_element_type3A_144 = arith.sitofp %convert_element_type3A : vector<128x512xi32> to vector<128x512xf32>
    %dot_general3A = arith.constant dense<0.000000e+00> : vector<128x512xf32>
    %dot_general3A_145 = tpu.matmul %convert_element_type3A_144, %mul3A, %dot_general3A {dimension_numbers = #tpu.dot_dimension_numbers<[1], [0], [0], [1], [0, 0, 1, 1], [], []>, transpose_lhs_hint = false} : vector<128x512xf32>, vector<512x512xf32>, vector<128x512xf32> -> vector<128x512xf32>
    %dot_general3A_146 = arith.constant dense<0.000000e+00> : vector<128x512xf32>
    %dot_general3A_147 = tpu.matmul %convert_element_type3A_144, %get3A_1, %dot_general3A_146 {dimension_numbers = #tpu.dot_dimension_numbers<[1], [0], [0], [1], [0, 0, 1, 1], [], []>, transpose_lhs_hint = false} : vector<128x512xf32>, vector<512x512xf32>, vector<128x512xf32> -> vector<128x512xf32>
    %sub3A = arith.constant 1.000000e+00 : f32
    %sub3A_148 = vector.broadcast %sub3A : f32 to vector<128x512xf32>
    %sub3A_149 = arith.subf %sub3A_148, %dot_general3A_147 : vector<128x512xf32>
    %mul3A_150 = arith.mulf %sub3A_149, %dot_general3A_145 : vector<128x512xf32>
    %mul3A_151 = arith.mulf %dot_general3A_147, %dot_general3A_145 : vector<128x512xf32>
    %convert_element_type3A_152 = arith.sitofp %iota3A : vector<128x512xi32> to vector<128x512xf32>
    %convert_element_type3A_153 = arith.sitofp %get3A_7 : vector<128x1xi32> to vector<128x1xf32>
    %sub3A_154 = vector.broadcast %convert_element_type3A_153 : vector<128x1xf32> to vector<128x512xf32>
    %sub3A_155 = arith.subf %convert_element_type3A_152, %sub3A_154 : vector<128x512xf32>
    %integer_pow3A = arith.mulf %sub3A_155, %sub3A_155 : vector<128x512xf32>
    %add3A_156 = arith.addf %mul3A_150, %integer_pow3A : vector<128x512xf32>
    %reduce_min3A = arith.constant dense<0x7F800000> : vector<128xf32>
    %reduce_min3A_157 = vector.multi_reduction <minimumf>, %add3A_156, %reduce_min3A [1] : vector<128x512xf32> to vector<128xf32>
    %broadcast_in_dim3A_158 = vector.shape_cast %reduce_min3A_157 : vector<128xf32> to vector<128x1xf32>
    %add3A_159 = arith.addf %mul3A_151, %integer_pow3A : vector<128x512xf32>
    %reduce_min3A_160 = arith.constant dense<0x7F800000> : vector<128xf32>
    %reduce_min3A_161 = vector.multi_reduction <minimumf>, %add3A_159, %reduce_min3A_160 [1] : vector<128x512xf32> to vector<128xf32>
    %broadcast_in_dim3A_162 = vector.shape_cast %reduce_min3A_161 : vector<128xf32> to vector<128x1xf32>
    %lt3A = arith.constant 0 : i32
    %lt3A_163 = vector.broadcast %lt3A : i32 to vector<128x1xi32>
    %lt3A_164 = arith.cmpi slt, %get3A_4, %lt3A_163 : vector<128x1xi32>
    %gt3A = arith.constant 512 : i32
    %gt3A_165 = vector.broadcast %gt3A : i32 to vector<128x1xi32>
    %gt3A_166 = arith.cmpi sgt, %get3A_4, %gt3A_165 : vector<128x1xi32>
    %or3A = arith.ori %lt3A_164, %gt3A_166 : vector<128x1xi1>
    %lt3A_167 = arith.constant 0 : i32
    %lt3A_168 = vector.broadcast %lt3A_167 : i32 to vector<128x1xi32>
    %lt3A_169 = arith.cmpi slt, %get3A_7, %lt3A_168 : vector<128x1xi32>
    %or3A_170 = arith.ori %or3A, %lt3A_169 : vector<128x1xi1>
    %gt3A_171 = arith.constant 512 : i32
    %gt3A_172 = vector.broadcast %gt3A_171 : i32 to vector<128x1xi32>
    %gt3A_173 = arith.cmpi sgt, %get3A_7, %gt3A_172 : vector<128x1xi32>
    %or3A_174 = arith.ori %or3A_170, %gt3A_173 : vector<128x1xi1>
    %ge3A = arith.constant 1 : i32
    %ge3A_175 = vector.broadcast %ge3A : i32 to vector<128x1xi32>
    %ge3A_176 = arith.cmpi sge, %get3A_4, %ge3A_175 : vector<128x1xi32>
    %ge3A_177 = arith.constant 1 : i32
    %ge3A_178 = vector.broadcast %ge3A_177 : i32 to vector<128x1xi32>
    %ge3A_179 = arith.cmpi sge, %get3A_7, %ge3A_178 : vector<128x1xi32>
    %and3A = arith.andi %ge3A_176, %ge3A_179 : vector<128x1xi1>
    %sqrt3A = math.sqrt %broadcast_in_dim3A_162 : vector<128x1xf32>
    %mul3A_180 = arith.constant 0.0173286796 : f32
    %mul3A_181 = vector.broadcast %mul3A_180 : f32 to vector<128x1xf32>
    %mul3A_182 = arith.mulf %sqrt3A, %mul3A_181 : vector<128x1xf32>
    %exp3A = math.exp %mul3A_182 : vector<128x1xf32>
    %neg3A = arith.constant 0.000000e+00 : f32
    %neg3A_183 = vector.broadcast %neg3A : f32 to vector<128x1xf32>
    %neg3A_184 = arith.subf %neg3A_183, %broadcast_in_dim3A_158 : vector<128x1xf32>
    %mul3A_185 = arith.constant 0.0460829511 : f32
    %mul3A_186 = vector.broadcast %mul3A_185 : f32 to vector<128x1xf32>
    %mul3A_187 = arith.mulf %neg3A_184, %mul3A_186 : vector<128x1xf32>
    %exp3A_188 = math.exp %mul3A_187 : vector<128x1xf32>
    %jit3A_189 = arith.constant 0.000000e+00 : f32
    %broadcast_in_dim3A_190 = vector.broadcast %jit3A_189 : f32 to vector<128x1xf32>
    %select_n3A_191 = arith.select %or3A_174, %broadcast_in_dim3A_190, %exp3A_188 : vector<128x1xi1>, vector<128x1xf32>
    %jit3A_192 = arith.constant 0.000000e+00 : f32
    %broadcast_in_dim3A_193 = vector.broadcast %jit3A_192 : f32 to vector<128x1xf32>
    %select_n3A_194 = arith.select %or3A_174, %broadcast_in_dim3A_193, %exp3A : vector<128x1xi1>, vector<128x1xf32>
    %convert_element_type3A_195 = arith.extui %and3A : vector<128x1xi1> to vector<128x1xi32>
    %convert_element_type3A_196 = arith.sitofp %convert_element_type3A_195 : vector<128x1xi32> to vector<128x1xf32>
    %concatenate3A_197 = tpu.concatenate %select_n3A_191, %select_n3A_194, %convert_element_type3A_196 in 1 : vector<128x1xf32>, vector<128x1xf32>, vector<128x1xf32> -> vector<128x3xf32>
    %swap3A = arith.constant 0 : index
    %swap3A_198 = arith.constant 0 : index
    %swap3A_199 = vector.load %arg2[%swap3A, %swap3A_198] : memref<128x3xf32, #tpu.memory_space<vmem>>, vector<128x3xf32>
    tpu.vector_store %arg2[%swap3A, %swap3A_198], %concatenate3A_197 {strides = array<i32>} : memref<128x3xf32, #tpu.memory_space<vmem>>, vector<128x3xf32>,
    return
  }
}

</mosaic_0001>

<sc_bundles>
// kernel: _run.4.cloned.1.call-start
scs
__scs_entry_jumppad:
0x0: {  	(pc) =	sbr.rel $0x88, $3  }
0x1: {  	(tag) =	ssettag $0x0;
	lr =	simm.s32 $0x1  }
0x2: {  	[smem:$0x3F9F] =	sst lr;
	_ =	strace $0xD0000000  }
0x3: {  	_ = 	snop  }
0x4: {  	_ = 	snop  }
0x5: {  	_ = 	snop  }
0x6: {  	_ = 	snop  }
0x7: {  	_ = 	snop  }
__scs_overlays_trampoline_lowered:
0x8: {  	[smem:$0x3FAE] =	sst s0  }
0x9: {  	[smem:$0x3FAF] =	sst s1  }
0xa: {  	[smem:$0x3FB0] =	sst s2  }
0xb: {  	[smem:$0x3FB1] =	sst s3  }
0xc: {  	[smem:$0x3FB2] =	sst s4  }
0xd: {  	[smem:$0x3FB3] =	sst s5  }
0xe: {  	[smem:$0x3FB4] =	sst s6  }
0xf: {  	[smem:$0x3FB5] =	sst s7  }
0x10: {  	[smem:$0x3FB6] =	sst s8  }
0x11: {  	[smem:$0x3FB7] =	sst s9;
	s0 =	simm.s32 @!p0 $0x0  }
0x12: {  	s1 =	sld [smem:$0x3F9D];
	s0 =	simm.s32 @p0 $0x1  }
0x13: {  	[smem:$0x3FB8] =	sst s0;
	s0 =	simm.s32 @!p1 $0x0  }
0x14: {  	s2 =	sld [smem:$0x3F9C];
	s0 =	simm.s32 @p1 $0x1  }
0x15: {  	[smem:$0x3FB9] =	sst s0;
	s0 =	simm.s32 @!p2 $0x0  }
0x16: {  	s3 =	sld [smem:$0x3FDB];
	s0 =	simm.s32 @p2 $0x1  }
0x17: {  	s4 =	simm.s32 $0x1BF5;
	[smem:$0x3FBB] =	sst s0  }
0x18: {  	s0 =	sld [smem:$0x3F9E];
	_ =	swait.ge [sflag:s4], $0x0  }
0x19: {  	s7 =	sld [smem:$0x3F9F]  }
0x1a: {  	s8 =	sadd.s32 $0xFFFFE003, lr  }
0x1b: {  	s9 =	sadd.s32 $0xFFFFFEF7, lr;
	s5 =	simm.s32 $0xFFFFFFFF;
	p2 =	slt.u32 s8, $0xFFFFF086  }
0x1c: {  	p1 =	slt.u32 s9, $0xF7A;
	s5 =	simm.s32 @!p2 $0x0  }
0x1d: {  	s5 =	simm.s32 @p1 $0x1;
	p0 =	seq.s32 s7, s2  }
0x1e: {  	s7 =	smul.u32 @!p0 $0xF7A, s2;
	p2 =	seq.s32 @!p0 s5, $0x0  }
0x1f: {  	s9 =	smul.u32 $0xF7A, s1;
	s8 =	simm.s32 @!p0 $0x1BF5;
	p2 =	por !p2, p0  }
0x20: {  	[sflag:s8] =	ssyncset.s32 @!p0 $0xFFFFF086;
	s6 =	sadd.s32 @!p0 s3, s7;
	s7 =	simm.s32 @!p0 $0x108  }
0x21: {  	s3 =	sadd.s32 s3, s9;
	s6 =	sadd.s32 @!p0 $0x88, s6;
	s7 =	simm.s32 @p2 $0x1082  }
0x22: {  	[simem:s7], [sflag:s8] =	dma.local @!p0 [hbm:s6], $0xF7A  }
0x23: {  	s9 =	sor.u32 $0xD0000000, s2;
	s6 =	simm.s32 $0x108;
	_ =	swait.ge @!p0 [sflag:s8], $0x0  }
0x24: {  	s3 =	sadd.s32 $0x88, s3;
	s6 =	simm.s32 @!p1 $0x1082;
	[sflag:s4] =	ssyncset.s32 $0xFFFFF086  }
0x25: {  	[simem:s6], [sflag:s4] =	dma.local [hbm:s3], $0xF7A  }
0x26: {  	[smem:$0x3F9F] =	sst s1;
	(tag) =	ssettag s2;
	_ =	strace s9  }
0x27: {  	s1 =	sld [smem:$0x3FAF]  }
0x28: {  	s2 =	sld [smem:$0x3FB0]  }
0x29: {  	s4 =	sld [smem:$0x3FB2]  }
0x2a: {  	p0 =	seq.s32 s5, $0x0;
	s5 =	sld [smem:$0x3FB3]  }
0x2b: {  	s6 =	sld [smem:$0x3FB4]  }
0x2c: {  	s7 =	sld [smem:$0x3FB5]  }
0x2d: {  	s3 =	simm.s32 $0x108;
	s8 =	sld [smem:$0x3FB6]  }
0x2e: {  	s3 =	simm.s32 @!p0 $0x1082;
	s9 =	sld [smem:$0x3FB7]  }
0x2f: {  	lr =	sadd.s32 s0, s3;
	s0 =	sld [smem:$0x3FAE]  }
0x30: {  	s3 =	sld [smem:$0x3FB1]  }
0x31: {  	[smem:$0x3FBA] =	sst s10  }
0x32: {  	s10 =	sld [smem:$0x3FB8];
	_ =	sdelay $0x3  }
0x33: {  	p0 =	seq.s32 s10, $0x1;
	s10 =	sld [smem:$0x3FBA];
	_ =	sdelay $0x3  }
0x34: {  	[smem:$0x3FBA] =	sst s10  }
0x35: {  	s10 =	sld [smem:$0x3FB9];
	_ =	sdelay $0x3  }
0x36: {  	p1 =	seq.s32 s10, $0x1;
	s10 =	sld [smem:$0x3FBA];
	_ =	sdelay $0x3  }
0x37: {  	[smem:$0x3FBA] =	sst s10  }
0x38: {  	s10 =	sld [smem:$0x3FBB]  }
0x39: {  	_ = 	snop;
	(pc) =	sbr.ind lr, $3  }
0x3a: {  	_ = 	snop  }
0x3b: {  	_ = 	snop  }
0x3c: {  	p2 =	seq.s32 s10, $0x1;
	s10 =	sld [smem:$0x3FBA]  }
0x3d: {  	_ =	shalt  }
0x3e: {  	_ =	shalt  }
0x3f: {  	_ =	shalt  }
0x40: {  	_ =	shalt  }
0x41: {  	_ =	shalt  }
0x42: {  	_ =	shalt  }
0x43: {  	_ =	shalt  }
0x44: {  	_ =	shalt  }
0x45: {  	_ =	shalt  }
0x46: {  	_ =	shalt  }
0x47: {  	_ =	shalt  }
0x48: {  	_ =	shalt  }
0x49: {  	_ =	shalt  }
0x4a: {  	_ =	shalt  }
0x4b: {  	_ =	shalt  }
0x4c: {  	_ =	shalt  }
0x4d: {  	_ =	shalt  }
0x4e: {  	_ =	shalt  }
0x4f: {  	_ =	shalt  }
0x50: {  	_ =	shalt  }
0x51: {  	_ =	shalt  }
0x52: {  	_ =	shalt  }
0x53: {  	_ =	shalt  }
0x54: {  	_ =	shalt  }
0x55: {  	_ =	shalt  }
0x56: {  	_ =	shalt  }
0x57: {  	_ =	shalt  }
0x58: {  	_ =	shalt  }
0x59: {  	_ =	shalt  }
0x5a: {  	_ =	shalt  }
0x5b: {  	_ =	shalt  }
0x5c: {  	_ =	shalt  }
0x5d: {  	_ =	shalt  }
0x5e: {  	_ =	shalt  }
0x5f: {  	_ =	shalt  }
0x60: {  	_ =	shalt  }
0x61: {  	_ =	shalt  }
0x62: {  	_ =	shalt  }
0x63: {  	_ =	shalt  }
0x64: {  	_ =	shalt  }
0x65: {  	_ =	shalt  }
0x66: {  	_ =	shalt  }
0x67: {  	_ =	shalt  }
0x68: {  	_ =	shalt  }
0x69: {  	_ =	shalt  }
0x6a: {  	_ =	shalt  }
0x6b: {  	_ =	shalt  }
0x6c: {  	_ =	shalt  }
0x6d: {  	_ =	shalt  }
0x6e: {  	_ =	shalt  }
0x6f: {  	_ =	shalt  }
0x70: {  	_ =	shalt  }
0x71: {  	_ =	shalt  }
0x72: {  	_ =	shalt  }
0x73: {  	_ =	shalt  }
0x74: {  	_ =	shalt  }
0x75: {  	_ =	shalt  }
0x76: {  	_ =	shalt  }
0x77: {  	_ =	shalt  }
0x78: {  	_ =	shalt  }
0x79: {  	_ =	shalt  }
0x7a: {  	_ =	shalt  }
0x7b: {  	_ =	shalt  }
0x7c: {  	_ =	shalt  }
0x7d: {  	_ =	shalt  }
0x7e: {  	_ =	shalt  }
0x7f: {  	_ =	shalt  }
0x80: {  	_ =	shalt  }
0x81: {  	_ =	shalt  }
0x82: {  	_ =	shalt  }
0x83: {  	_ =	shalt  }
0x84: {  	_ =	shalt  }
0x85: {  	_ =	shalt  }
0x86: {  	_ =	shalt  }
0x87: {  	_ =	shalt  }
.Lfunc_end0:
.L_simem_size_0:
called_computation_lowered:
.L_overlay_start_0:
0x88: {  	s2 =	sld [smem:$0x3FD9]  }
0x89: {  	s3 =	sld [smem:$0x3FFE];
	_ =	sdelay $0x1  }
0x8a: {  	s1 =	srdreg.scid  }
0x8b: {  	s0 =	sand.u32 $0x1, s1  }
0x8c: {  	s16 =	sshll.u32 s0, $0xA;
	s2 =	sadd.s32 s3, s2  }
0x8d: {  	s2 =	sadd.s32 s2, s16  }
0x8e: {  	[smem:$0x3FC6] =	sst s2  }
0x8f: {  	_ = 	snop  }
0x90: {  	(tm) =	ssettm $0x1  }
0x91: {  	s17 =	sld [smem:$0x3FFB];
	_ =	sdelay $0x3  }
0x92: {  	_ =	strace s17  }
0x93: {  	s2 =	sld [smem:$0x3FFC];
	_ =	sdelay $0x3  }
0x94: {  	_ =	strace s2  }
0x95: {  	s2 =	sld [smem:$0x3FFD];
	_ =	sdelay $0x3  }
0x96: {  	_ =	strace s2  }
0x97: {  	_ =	strace $0x8FFFFFFF  }
0x98: {  	s18 =	sld [smem:$0x3FDB];
	_ =	sdelay $0x1  }
0x99: {  	s19 =	simm.s32 $_scs_section_size  }
0x9a: {  	s4 =	simm.s32 $_size__tile_overlayer_lowered;
	s5 =	simm.s32 $_tile_overlayer_lowered  }
0x9b: {  	s22 =	simm.s32 $0x1BFF;
	s21 =	sshll.u32 s5, $0x1;
	s2 =	sadd.s32 s19, s18  }
0x9c: {  	s6 =	simm.s32 $0x0;
	s20 =	sshll.u32 s4, $0x1;
	s4 =	sadd.s32 s21, s2  }
0x9d: {  	[timem:s6], [sflag:s22] =	dma.local [hbm:s4], s20  }
0x9e: {  	_ =	swait.ge [sflag:s22], s20  }
0x9f: {  	s3 =	ssub.s32 $0x0, s20;
	[sflag:s22] =	ssyncset.done $0x0  }
0xa0: {  	[sflag:s22] =	ssyncadd.s32 s3;
	_ =	sdelay $0x1  }
0xa1: {  	s23 =	simm.s32 $0x1B8B  }
0xa2: {  	_ =	swait.ge [sflag:s23], $0x1  }
0xa3: {  	[sflag:s23] =	ssyncset.done $0x0  }
0xa4: {  	s25 =	simm.s32 $0x1B8E;
	s24 =	sld [smem:$0x3FFE];
	[sflag:s23] =	ssyncadd.s32 $0xFFFFFFFF  }
0xa5: {  	s26 =	simm.s32 $execute0_lowered;
	[smem:$0x3FD2] =	sst s25  }
0xa6: {  	s4 =	sshll.u32 s26, $0x1;
	_ =	strace $0x80000046;
	[dreg:$0x1] =	wrdreg $0xFFFFFFFF  }
0xa7: {  	s28 =	simm.s32 $_size_execute0_lowered;
	s2 =	sadd.s32 s2, s4;
	[dreg:$0x0] =	wrdreg $0x0  }
0xa8: {  	s4 =	sshll.u32 s28, $0x1;
	[dreg:$0x2] =	wrdreg s2  }
0xa9: {  	[dreg:$0x3] =	wrdreg s4  }
0xaa: {  	[dreg:$0x4] =	wrdreg $0xC0  }
0xab: {  	_ =	task [dreg:s6], $0x5FFFF  }
0xac: {  	[dreg:$0x1] =	wrdreg $0xFFFFFFFF  }
0xad: {  	[dreg:$0x0] =	wrdreg $0x60  }
0xae: {  	[dreg:$0x2] =	wrdreg s24  }
0xaf: {  	[dreg:$0x3] =	wrdreg $0x9  }
0xb0: {  	_ =	task.clear_ibuf [dreg:s6], $0x4FFFF;
	_ =	strace $0x90000046  }
0xb1: {  	s29 =	simm.s32 $0x9;
	_ =	strace $0x80000048  }
0xb2: {  	_ =	swait.ge [sflag:s29], $0x1  }
0xb3: {  	[sflag:s29] =	ssyncadd.s32 $0xFFFFFFFF  }
0xb4: {  	_ =	strace $0x90000048  }
0xb5: {  	_ =	sfence  }
0xb6: {  	s30 =	sld [smem:$0x0];
	_ =	sdelay $0x2  }
0xb7: {  	s31 =	sshll.u32 s1, $0xD;
	s1 =	sshrl.u32 s1, $0x2  }
0xb8: {  	s3 =	sand.u32 $0x4000, s31;
	s1 =	sadd.s32 s1, s30  }
0xb9: {  	s0 =	sor.u32 s3, s0;
	s1 =	sshll.u32 s1, $0x11  }
0xba: {  	s0 =	sor.u32 s1, s0  }
0xbb: {  	s0 =	sadd.s32 $0x8F2B, s0  }
0xbc: {  	[sflag:s0] =	ssyncadd.remote.s32 $0x1  }
0xbd: {  	_ =	sfence.sel $0xFFFF  }
0xbe: {  	[dreg:$0x0] =	wrdreg $0xFFFFFFFF;
	(pc) =	sbr.abs _section_cstart, $3  }
0xbf: {  	[dreg:$0x1] =	wrdreg $0xFFFFFFFF  }
0xc0: {  	_ =	task.clear_ibuf [dreg:s6], $0x2FFFF;
	_ =	strace $0x9FFFFFFF  }
0xc1: {  	(tm) =	ssettm $0x7FFFFFFF  }
tec
execute0_lowered:
.L_overlay_start_1:
0x0: {  	(tag) =	ssettag $0x1  }
0x1: {  	s5 =	rddreg [dreg:$0x0]  }
0x2: {  	s2 =	srdreg.scid;
	s0 =	rddreg [dreg:$0x1]  }
0x3: {  	s1 =	stileid.u32;
	s7 =	simm.s32 $0x80;
	s6 =	sand.u32 $0x1, s2  }
0x4: {  	s2 =	simm.s32 $0x0;
	s3 =	sshll.u32 s1, $0x2;
	s4 =	sshll.u32 s6, $0x1  }
0x5: {  	[smem:$0x7FF] =	sst s2;
	s9 =	ssub.s32 $0x2, s6;
	s3 =	sor.u32 s4, s3  }
0x6: {  	_ =	strace $0x80000047;
	s4 =	sadd.s32 s5, s3;
	s3 =	simm.s32 $0x2  }
0x7: {  	[tilespmem:s2], [sflag:$0x2] =	stream.linear.gather [hbm4b:s4+s2], $0x10, $0x38;
	[tilespmem:$0x100] =	vst v63  }
0x8: {  	s8 =	simm.s32 $0x1;
	s10 =	sshrl.u32 s9, $0x1;
	_ =	swait.ge [sflag:s3], $0x10  }
0x9: {  	s6 =	simm.s32 $0x10;
	s10 =	ssub.s32 s9, s10;
	[sflag:s3] =	ssyncset.done $0x0  }
0xa: {  	s5 =	sadd.s32 $0x200, s5;
	s10 =	smax.u32 s10, $0x1;
	[sflag:s3] =	ssyncadd.s32 $0xFFFFFFF0  }
0xb: {  	[tilespmem:s7], [sflag:$0x1] =	stream.indirect.gather [hbm4b:s5+s6], $0x1, s2, s6, $0xb8;
	[tilespmem:$0x100] =	vst v63  }
0xc: {  	p0 =	sne.s32 s10, $0x1;
	_ =	swait.ge [sflag:s8], $0x10  }
.Ltmp0:
0xd: {  	[sflag:s8] =	ssyncset.done $0x0;
	(pc) =	sbr.rel @!p0 .LBB2_2-.Ltmp0, $4  }
0xe: {  	s9 =	sadd.s32 $0x8200, s4;
	[sflag:s8] =	ssyncadd.s32 $0xFFFFFFF0  }
0xf: {  	[hbm4b:s9+s2] =	stream.linear.scatter [tilespmem:s7], [sflag:$0x2], $0x10, $0x38;
	[tilespmem:$0x100] =	vst v63  }
0x10: {  	_ =	swait.ge [sflag:s3], $0x10  }
0x11: {  	s10 =	sadd.s32 $0xFFFFFFFF, s10;
	[sflag:s3] =	ssyncset.done $0x0  }
.LBB2_1:
0x12: {  	p0 =	sne.s32 s10, $0x1;
	s10 =	sadd.s32 $0xFFFFFFFF, s10;
	[sflag:s3] =	ssyncadd.s32 $0xFFFFFFF0  }
0x13: {  	[tilespmem:s2], [sflag:$0x2] =	stream.linear.gather [hbm4b:s4+s2], $0x10, $0x38;
	[tilespmem:$0x100] =	vst v63  }
0x14: {  	_ =	swait.ge [sflag:s3], $0x10  }
0x15: {  	[sflag:s3] =	ssyncset.done $0x0  }
0x16: {  	[sflag:s3] =	ssyncadd.s32 $0xFFFFFFF0  }
0x17: {  	[tilespmem:s7], [sflag:$0x1] =	stream.indirect.gather [hbm4b:s5+s6], $0x1, s2, s6, $0xb8;
	[tilespmem:$0x100] =	vst v63  }
0x18: {  	_ =	swait.ge [sflag:s8], $0x10  }
.Ltmp1:
0x19: {  	[sflag:s8] =	ssyncset.done $0x0;
	(pc) =	sbr.rel @p0 .LBB2_1-.Ltmp1, $4  }
0x1a: {  	[sflag:s8] =	ssyncadd.s32 $0xFFFFFFF0  }
0x1b: {  	[hbm4b:s9+s2] =	stream.linear.scatter [tilespmem:s7], [sflag:$0x2], $0x10, $0x38;
	[tilespmem:$0x100] =	vst v63  }
0x1c: {  	_ =	swait.ge [sflag:s3], $0x10  }
0x1d: {  	[sflag:s3] =	ssyncset.done $0x0  }
.LBB2_2:
0x1e: {  	[sflag:s3] =	ssyncadd.s32 $0xFFFFFFF0  }
0x1f: {  	_ =	sfence.sel $0x180000  }
0x20: {  	[bflag:$0x0] =	sbarrier.arrive $0xFFFF  }
0x21: {  	p0 =	sne.s32 s1, $0x0;
	_ =	strace $0x90000047  }
0x22: {  	s0 =	sadd.s32 @!p0 $0x100000, s0;
	[bflag:$0x2] =	sbarrier.arrive $0xFFFF  }
0x23: {  	[sflag:s0] =	ssyncadd.tile.s32 @!p0 $0x1;
	_ =	shalt  }
.Lfunc_end2:
_tile_overlayer_lowered:
.L_overlay_start_2:
0x24: {  	(tag) =	ssettag $0x2  }
0x25: {  	s0 =	rddreg [dreg:$0x0];
	s2 =	stileid.u32  }
0x26: {  	s1 =	rddreg [dreg:$0x1];
	p0 =	sne.s32 s2, $0x0  }
0x27: {  	s3 =	rddreg [dreg:$0x2];
	[bflag:$0x3] =	sbarrier.arrive $0xFFFF;
	s2 =	simm.s32 @!p0 $0x1C02  }
0x28: {  	[timem:s3], [sflag:s2] =	dma.local @!p0 [hbm:s0], s1  }
0x29: {  	s0 =	simm.s32 @!p0 $0x2  }
0x2a: {  	_ =	swait.ge @!p0 [sflag:s0], s1  }
0x2b: {  	s1 =	ssub.s32 @!p0 $0x0, s1;
	[sflag:s0] =	ssyncset.done @!p0 $0x0  }
0x2c: {  	[sflag:s0] =	ssyncadd.s32 @!p0 s1  }
0x2d: {  	[bflag:$0x3] =	sbarrier.arrive $0xFFFF  }
0x2e: {  	_ =	shalt  }

</sc_bundles>
